<compile_context>
chip_gen: v7x
topology: tpu7x:2x2x1
jax: 0.10.2.dev20260603
libtpu: 0.0.44.dev20260713+nightly
codegen_flags: <defaults>
</compile_context>

<pallas_src>
import jax
import jax.numpy as jnp
from jax import lax
from jax.experimental import pallas as pl
from jax.experimental.pallas import tpu as pltpu, tpu_sc as plsc

BEV_M = 200 * 200 * 16
NC, NS = 2, 16
NW = NC * NS
CHUNK = 128


def _make_kernel(NU, NM, D):
    per_u = NU // NW
    per_m = NM // NW
    full_u, tail_u = per_u // CHUNK, per_u % CHUNK
    full_m, tail_m = per_m // CHUNK, per_m % CHUNK
    assert NU % NW == 0 and NM % NW == 0
    assert tail_u % 8 == 0 and tail_m % 8 == 0

    mesh = plsc.VectorSubcoreMesh(
        core_axis_name="c", subcore_axis_name="s", num_cores=NC, num_subcores=NS
    )

    @jax.jit
    def run(seed_feats, mask_rows, uidx, midx):
        @pl.kernel(
            out_type=jax.ShapeDtypeStruct((BEV_M, D), jnp.float32),
            mesh=mesh,
            scratch_types=[
                pltpu.VMEM((CHUNK,), jnp.int32),
                pltpu.VMEM((CHUNK,), jnp.int32),
                pltpu.VMEM((tail_u,), jnp.int32),
                pltpu.VMEM((CHUNK, D), jnp.float32),
                pltpu.VMEM((CHUNK, D), jnp.float32),
                pltpu.SemaphoreType.DMA,
                pltpu.SemaphoreType.DMA,
                pltpu.SemaphoreType.DMA,
            ],
        )
        def k(seed_hbm, mrows_hbm, uidx_hbm, midx_hbm, out_hbm,
              idx_a, idx_b, idx_t, rows_v, mrows_v, sem_i, sem_r, sem_s):
            wid = lax.axis_index("s") * NC + lax.axis_index("c")
            ubase = wid * per_u
            mbase = wid * per_m

            pltpu.sync_copy(mrows_hbm, mrows_v)

            def u_body(j, _):
                off = ubase + j * CHUNK
                ci = pltpu.async_copy(uidx_hbm.at[pl.ds(off, CHUNK)], idx_a, sem_i)
                cr = pltpu.async_copy(seed_hbm.at[pl.ds(off, CHUNK)], rows_v, sem_r)
                ci.wait()
                cr.wait()
                pltpu.async_copy(rows_v, out_hbm.at[idx_a], sem_s).wait()
                return 0

            lax.fori_loop(0, full_u, u_body, 0)

            if tail_u:
                off = ubase + full_u * CHUNK
                ci = pltpu.async_copy(uidx_hbm.at[pl.ds(off, tail_u)], idx_t, sem_i)
                cr = pltpu.async_copy(
                    seed_hbm.at[pl.ds(off, tail_u)],
                    rows_v.at[pl.ds(0, tail_u)], sem_r)
                ci.wait()
                cr.wait()
                pltpu.async_copy(
                    rows_v.at[pl.ds(0, tail_u)], out_hbm.at[idx_t], sem_s).wait()

            def m_body(j, _):
                off = mbase + j * CHUNK
                pltpu.async_copy(midx_hbm.at[pl.ds(off, CHUNK)], idx_b, sem_i).wait()
                pltpu.async_copy(mrows_v, out_hbm.at[idx_b], sem_s).wait()
                return 0

            lax.fori_loop(0, full_m, m_body, 0)

            if tail_m:
                off = mbase + full_m * CHUNK
                pltpu.async_copy(midx_hbm.at[pl.ds(off, tail_m)], idx_t, sem_i).wait()
                pltpu.async_copy(
                    mrows_v.at[pl.ds(0, tail_m)], out_hbm.at[idx_t], sem_s).wait()

        return k(seed_feats, mask_rows, uidx, midx)

    return run


def kernel(seed_feats, mask_weight, unmasked_idx, masked_idx):
    NU, D = seed_feats.shape
    NM = masked_idx.shape[0]
    run = _make_kernel(NU, NM, D)
    mask_rows = jnp.broadcast_to(
        mask_weight.reshape(1, D).astype(jnp.float32), (CHUNK, D))
    return run(
        seed_feats,
        mask_rows,
        unmasked_idx.astype(jnp.int32),
        masked_idx.astype(jnp.int32),
    )

# --- scband reference (transcript-rebuilt; emitter-appended) ---
"""Pipeline reference for scband-view-transform-voxel-58686433132695 (READ-ONLY COPY).

The authoritative reference and input builder live on the scoring server;
editing this copy changes nothing except your own understanding.
"""

import jax, jax.numpy as jnp
import numpy as np

BEV_H, BEV_W, BEV_Z = 200, 200, 16
EMBED_DIMS = 128
M = BEV_H * BEV_W * BEV_Z  # 640000 voxels
NU = M // 2  # unmasked voxels


def setup_inputs(seed: int = 0) -> dict:
    key = jax.random.key(seed)
    k1, k2, k3 = jax.random.split(key, 3)
    # Disjoint unmasked/masked index sets, as produced by np.where(proposal > 0)
    # and np.where(proposal == 0) in the original module.
    perm = jax.random.permutation(k1, M)
    unmasked_idx = perm[:NU].astype(jnp.int64)
    masked_idx = perm[NU:].astype(jnp.int64)
    seed_feats = jax.random.normal(k2, (NU, EMBED_DIMS), dtype=jnp.float32)
    mask_weight = jax.random.normal(k3, (1, EMBED_DIMS), dtype=jnp.float32) * 0.02
    return {
        "seed_feats": seed_feats,
        "mask_weight": mask_weight,
        "unmasked_idx": unmasked_idx,
        "masked_idx": masked_idx,
    }


def reference(seed_feats, mask_weight, unmasked_idx, masked_idx):
    # vox_feats_flatten = empty(M, d)
    # vox_feats_flatten[unmasked voxel ids] = seed_feats (from cross transformer)
    # vox_feats_flatten[masked voxel ids]   = mask_embed.weight expanded
    d = seed_feats.shape[1]
    vox_feats_flatten = jnp.zeros((M, d), dtype=seed_feats.dtype)
    vox_feats_flatten = vox_feats_flatten.at[unmasked_idx].set(seed_feats)
    mask_vals = jnp.broadcast_to(mask_weight.reshape(1, d), (masked_idx.shape[0], d))
    vox_feats_flatten = vox_feats_flatten.at[masked_idx].set(mask_vals)
    return vox_feats_flatten

if __name__ == "__main__":
    import jax
    _d = setup_inputs()
    print(jax.jit(kernel)(*tuple(_d.values())))

</pallas_src>

<mosaic_0001>
#map = affine_map<(d0, d1) -> (0, 0)>
#map1 = affine_map<(d0, d1) -> (0)>
module attributes {stable_mosaic.version = 14 : i64} {
  func.func @k(%arg0: i32, %arg1: i32, %arg2: memref<320000x128xf32, #tpu.memory_space<hbm>>, %arg3: memref<128x128xf32, #tpu.memory_space<hbm>>, %arg4: memref<320000xi32, #tpu.memory_space<hbm>>, %arg5: memref<320000xi32, #tpu.memory_space<hbm>>, %arg6: memref<640000x128xf32, #tpu.memory_space<hbm>>, %arg7: memref<128xi32, #tpu.memory_space<vmem>>, %arg8: memref<128xi32, #tpu.memory_space<vmem>>, %arg9: memref<16xi32, #tpu.memory_space<vmem>>, %arg10: memref<128x128xf32, #tpu.memory_space<vmem>>, %arg11: memref<128x128xf32, #tpu.memory_space<vmem>>, %arg12: memref<!tpu.dma_semaphore, #tpu.memory_space<semaphore_mem>>, %arg13: memref<!tpu.dma_semaphore, #tpu.memory_space<semaphore_mem>>, %arg14: memref<!tpu.dma_semaphore, #tpu.memory_space<semaphore_mem>>) attributes {dimension_semantics = [#tpu.dimension_semantics<core_parallel>, #tpu.dimension_semantics<subcore_parallel>], iteration_bounds = array<i64: 2, 16>, scalar_prefetch = 0 : i64, scratch_operands = 8 : i64, tpu.core_type = #tpu.core_type<sc_vector_subcore>, window_params = [{transform_indices = #map}, {transform_indices = #map}, {transform_indices = #map1}, {transform_indices = #map1}, {transform_indices = #map}]} {
    %mul3A = arith.constant 2 : i32
    %mul3A_0 = arith.muli %arg1, %mul3A : i32
    %add3A = arith.addi %mul3A_0, %arg0 : i32
    %mul3A_1 = arith.constant 10000 : i32
    %mul3A_2 = arith.muli %add3A, %mul3A_1 : i32
    %mul3A_3 = arith.constant 10000 : i32
    %mul3A_4 = arith.muli %add3A, %mul3A_3 : i32
    "tpu.region"() ({
      %run_scoped3A = tpu.sem_alloc : memref<!tpu.dma_semaphore, #tpu.memory_space<semaphore_mem>>
      tpu.enqueue_dma source(%arg3 : memref<128x128xf32, #tpu.memory_space<hbm>>) target(%arg11 : memref<128x128xf32, #tpu.memory_space<vmem>>) target_semaphore(%run_scoped3A : memref<!tpu.dma_semaphore, #tpu.memory_space<semaphore_mem>>)
      tpu.wait_dma2 semaphore(%run_scoped3A : memref<!tpu.dma_semaphore, #tpu.memory_space<semaphore_mem>>) src(%arg3 : memref<128x128xf32, #tpu.memory_space<hbm>>) dst(%arg11 : memref<128x128xf32, #tpu.memory_space<vmem>>)
      tpu.yield
    }) : () -> ()
    %scan3A = arith.constant 0 : i32
    %scan3A_5 = arith.constant 0 : i32
    %scan3A_6 = arith.constant 78 : i32
    %scan3A_7 = arith.addi %scan3A_5, %scan3A_6 : i32
    %scan3A_8 = arith.constant 1 : i32
    %scan3A_9 = scf.for %scan3A_72 = %scan3A_5 to %scan3A_7 step %scan3A_8 iter_args(%scan3A_73 = %scan3A) -> (i32)  : i32 {
      %mul3A_74 = arith.constant 128 : i32
      %mul3A_75 = arith.muli %scan3A_72, %mul3A_74 : i32
      %add3A_76 = arith.addi %mul3A_2, %mul3A_75 : i32
      %dma_start3A_77 = tpu.memref_slice %arg4[%add3A_76] : memref<320000xi32, #tpu.memory_space<hbm>> -> memref<128xi32, #tpu.memory_space<hbm>>
      %dma_start3A_78 = tpu.memref_slice %arg4[%add3A_76] : memref<320000xi32, #tpu.memory_space<hbm>> -> memref<128xi32, #tpu.memory_space<hbm>>
      tpu.enqueue_dma source(%dma_start3A_78 : memref<128xi32, #tpu.memory_space<hbm>>) target(%arg7 : memref<128xi32, #tpu.memory_space<vmem>>) target_semaphore(%arg12 : memref<!tpu.dma_semaphore, #tpu.memory_space<semaphore_mem>>)
      %dma_start3A_79 = arith.constant 0 : i32
      %dma_start3A_80 = tpu.memref_slice %arg2[%add3A_76, %dma_start3A_79] : memref<320000x128xf32, #tpu.memory_space<hbm>> -> memref<128x128xf32, #tpu.memory_space<hbm>>
      %dma_start3A_81 = arith.constant 0 : i32
      %dma_start3A_82 = tpu.memref_slice %arg2[%add3A_76, %dma_start3A_81] : memref<320000x128xf32, #tpu.memory_space<hbm>> -> memref<128x128xf32, #tpu.memory_space<hbm>>
      tpu.enqueue_dma source(%dma_start3A_82 : memref<128x128xf32, #tpu.memory_space<hbm>>) target(%arg10 : memref<128x128xf32, #tpu.memory_space<vmem>>) target_semaphore(%arg13 : memref<!tpu.dma_semaphore, #tpu.memory_space<semaphore_mem>>)
      %dma_wait3A_83 = tpu.memref_slice %arg4[%add3A_76] : memref<320000xi32, #tpu.memory_space<hbm>> -> memref<128xi32, #tpu.memory_space<hbm>>
      %dma_wait3A_84 = tpu.memref_slice %arg4[%add3A_76] : memref<320000xi32, #tpu.memory_space<hbm>> -> memref<128xi32, #tpu.memory_space<hbm>>
      tpu.wait_dma2 semaphore(%arg12 : memref<!tpu.dma_semaphore, #tpu.memory_space<semaphore_mem>>) src(%dma_wait3A_84 : memref<128xi32, #tpu.memory_space<hbm>>) dst(%arg7 : memref<128xi32, #tpu.memory_space<vmem>>)
      %dma_wait3A_85 = arith.constant 0 : i32
      %dma_wait3A_86 = tpu.memref_slice %arg2[%add3A_76, %dma_wait3A_85] : memref<320000x128xf32, #tpu.memory_space<hbm>> -> memref<128x128xf32, #tpu.memory_space<hbm>>
      %dma_wait3A_87 = arith.constant 0 : i32
      %dma_wait3A_88 = tpu.memref_slice %arg2[%add3A_76, %dma_wait3A_87] : memref<320000x128xf32, #tpu.memory_space<hbm>> -> memref<128x128xf32, #tpu.memory_space<hbm>>
      tpu.wait_dma2 semaphore(%arg13 : memref<!tpu.dma_semaphore, #tpu.memory_space<semaphore_mem>>) src(%dma_wait3A_88 : memref<128x128xf32, #tpu.memory_space<hbm>>) dst(%arg10 : memref<128x128xf32, #tpu.memory_space<vmem>>)
      %dma_start3A_89 = arith.constant 0 : i32
      %dma_start3A_90 = arith.constant 0 : i32
      %dma_start3A_91 = tpu.memref_slice %arg6[%dma_start3A_89, %dma_start3A_90] : memref<640000x128xf32, #tpu.memory_space<hbm>> -> memref<640000x128xf32, #tpu.memory_space<hbm>>
      tpu.enqueue_indirect_dma source(%arg10 : memref<128x128xf32, #tpu.memory_space<vmem>>) target(%dma_start3A_91 : memref<640000x128xf32, #tpu.memory_space<hbm>>) offsets(%arg7 : memref<128xi32, #tpu.memory_space<vmem>>) semaphore(%arg14 : memref<!tpu.dma_semaphore, #tpu.memory_space<semaphore_mem>>)
      %dma_wait3A_92 = arith.constant 0 : i32
      %dma_wait3A_93 = arith.constant 0 : i32
      %dma_wait3A_94 = tpu.memref_slice %arg6[%dma_wait3A_92, %dma_wait3A_93] : memref<640000x128xf32, #tpu.memory_space<hbm>> -> memref<640000x128xf32, #tpu.memory_space<hbm>>
      tpu.wait_indirect_dma semaphore(%arg14 : memref<!tpu.dma_semaphore, #tpu.memory_space<semaphore_mem>>) src(%arg10 : memref<128x128xf32, #tpu.memory_space<vmem>>) dst(%dma_wait3A_94 : memref<640000x128xf32, #tpu.memory_space<hbm>>)
      %scan3A_95 = arith.constant 0 : i32
      scf.yield %scan3A_95 : i32
    }
    %scan3A_10 = arith.constant 78 : i32
    %add3A_11 = arith.constant 9984 : i32
    %add3A_12 = arith.addi %mul3A_2, %add3A_11 : i32
    %dma_start3A = tpu.memref_slice %arg4[%add3A_12] : memref<320000xi32, #tpu.memory_space<hbm>> -> memref<16xi32, #tpu.memory_space<hbm>>
    %dma_start3A_13 = tpu.memref_slice %arg4[%add3A_12] : memref<320000xi32, #tpu.memory_space<hbm>> -> memref<16xi32, #tpu.memory_space<hbm>>
    tpu.enqueue_dma source(%dma_start3A_13 : memref<16xi32, #tpu.memory_space<hbm>>) target(%arg9 : memref<16xi32, #tpu.memory_space<vmem>>) target_semaphore(%arg12 : memref<!tpu.dma_semaphore, #tpu.memory_space<semaphore_mem>>)
    %dma_start3A_14 = arith.constant 0 : i32
    %dma_start3A_15 = arith.constant 0 : i32
    %dma_start3A_16 = tpu.memref_slice %arg10[%dma_start3A_14, %dma_start3A_15] : memref<128x128xf32, #tpu.memory_space<vmem>> -> memref<16x128xf32, #tpu.memory_space<vmem>>
    %dma_start3A_17 = arith.constant 0 : i32
    %dma_start3A_18 = tpu.memref_slice %arg2[%add3A_12, %dma_start3A_17] : memref<320000x128xf32, #tpu.memory_space<hbm>> -> memref<16x128xf32, #tpu.memory_space<hbm>>
    %dma_start3A_19 = arith.constant 0 : i32
    %dma_start3A_20 = arith.constant 0 : i32
    %dma_start3A_21 = tpu.memref_slice %arg10[%dma_start3A_19, %dma_start3A_20] : memref<128x128xf32, #tpu.memory_space<vmem>> -> memref<16x128xf32, #tpu.memory_space<vmem>>
    %dma_start3A_22 = arith.constant 0 : i32
    %dma_start3A_23 = tpu.memref_slice %arg2[%add3A_12, %dma_start3A_22] : memref<320000x128xf32, #tpu.memory_space<hbm>> -> memref<16x128xf32, #tpu.memory_space<hbm>>
    tpu.enqueue_dma source(%dma_start3A_23 : memref<16x128xf32, #tpu.memory_space<hbm>>) target(%dma_start3A_21 : memref<16x128xf32, #tpu.memory_space<vmem>>) target_semaphore(%arg13 : memref<!tpu.dma_semaphore, #tpu.memory_space<semaphore_mem>>)
    %dma_wait3A = tpu.memref_slice %arg4[%add3A_12] : memref<320000xi32, #tpu.memory_space<hbm>> -> memref<16xi32, #tpu.memory_space<hbm>>
    %dma_wait3A_24 = tpu.memref_slice %arg4[%add3A_12] : memref<320000xi32, #tpu.memory_space<hbm>> -> memref<16xi32, #tpu.memory_space<hbm>>
    tpu.wait_dma2 semaphore(%arg12 : memref<!tpu.dma_semaphore, #tpu.memory_space<semaphore_mem>>) src(%dma_wait3A_24 : memref<16xi32, #tpu.memory_space<hbm>>) dst(%arg9 : memref<16xi32, #tpu.memory_space<vmem>>)
    %dma_wait3A_25 = arith.constant 0 : i32
    %dma_wait3A_26 = arith.constant 0 : i32
    %dma_wait3A_27 = tpu.memref_slice %arg10[%dma_wait3A_25, %dma_wait3A_26] : memref<128x128xf32, #tpu.memory_space<vmem>> -> memref<16x128xf32, #tpu.memory_space<vmem>>
    %dma_wait3A_28 = arith.constant 0 : i32
    %dma_wait3A_29 = tpu.memref_slice %arg2[%add3A_12, %dma_wait3A_28] : memref<320000x128xf32, #tpu.memory_space<hbm>> -> memref<16x128xf32, #tpu.memory_space<hbm>>
    %dma_wait3A_30 = arith.constant 0 : i32
    %dma_wait3A_31 = arith.constant 0 : i32
    %dma_wait3A_32 = tpu.memref_slice %arg10[%dma_wait3A_30, %dma_wait3A_31] : memref<128x128xf32, #tpu.memory_space<vmem>> -> memref<16x128xf32, #tpu.memory_space<vmem>>
    %dma_wait3A_33 = arith.constant 0 : i32
    %dma_wait3A_34 = tpu.memref_slice %arg2[%add3A_12, %dma_wait3A_33] : memref<320000x128xf32, #tpu.memory_space<hbm>> -> memref<16x128xf32, #tpu.memory_space<hbm>>
    tpu.wait_dma2 semaphore(%arg13 : memref<!tpu.dma_semaphore, #tpu.memory_space<semaphore_mem>>) src(%dma_wait3A_34 : memref<16x128xf32, #tpu.memory_space<hbm>>) dst(%dma_wait3A_32 : memref<16x128xf32, #tpu.memory_space<vmem>>)
    %dma_start3A_35 = arith.constant 0 : i32
    %dma_start3A_36 = arith.constant 0 : i32
    %dma_start3A_37 = tpu.memref_slice %arg10[%dma_start3A_35, %dma_start3A_36] : memref<128x128xf32, #tpu.memory_space<vmem>> -> memref<16x128xf32, #tpu.memory_space<vmem>>
    %dma_start3A_38 = arith.constant 0 : i32
    %dma_start3A_39 = arith.constant 0 : i32
    %dma_start3A_40 = tpu.memref_slice %arg6[%dma_start3A_38, %dma_start3A_39] : memref<640000x128xf32, #tpu.memory_space<hbm>> -> memref<640000x128xf32, #tpu.memory_space<hbm>>
    tpu.enqueue_indirect_dma source(%dma_start3A_37 : memref<16x128xf32, #tpu.memory_space<vmem>>) target(%dma_start3A_40 : memref<640000x128xf32, #tpu.memory_space<hbm>>) offsets(%arg9 : memref<16xi32, #tpu.memory_space<vmem>>) semaphore(%arg14 : memref<!tpu.dma_semaphore, #tpu.memory_space<semaphore_mem>>)
    %dma_wait3A_41 = arith.constant 0 : i32
    %dma_wait3A_42 = arith.constant 0 : i32
    %dma_wait3A_43 = tpu.memref_slice %arg10[%dma_wait3A_41, %dma_wait3A_42] : memref<128x128xf32, #tpu.memory_space<vmem>> -> memref<16x128xf32, #tpu.memory_space<vmem>>
    %dma_wait3A_44 = arith.constant 0 : i32
    %dma_wait3A_45 = arith.constant 0 : i32
    %dma_wait3A_46 = tpu.memref_slice %arg6[%dma_wait3A_44, %dma_wait3A_45] : memref<640000x128xf32, #tpu.memory_space<hbm>> -> memref<640000x128xf32, #tpu.memory_space<hbm>>
    tpu.wait_indirect_dma semaphore(%arg14 : memref<!tpu.dma_semaphore, #tpu.memory_space<semaphore_mem>>) src(%dma_wait3A_43 : memref<16x128xf32, #tpu.memory_space<vmem>>) dst(%dma_wait3A_46 : memref<640000x128xf32, #tpu.memory_space<hbm>>)
    %scan3A_47 = arith.constant 0 : i32
    %scan3A_48 = arith.constant 0 : i32
    %scan3A_49 = arith.constant 78 : i32
    %scan3A_50 = arith.addi %scan3A_48, %scan3A_49 : i32
    %scan3A_51 = arith.constant 1 : i32
    %scan3A_52 = scf.for %scan3A_72 = %scan3A_48 to %scan3A_50 step %scan3A_51 iter_args(%scan3A_73 = %scan3A_47) -> (i32)  : i32 {
      %mul3A_74 = arith.constant 128 : i32
      %mul3A_75 = arith.muli %scan3A_72, %mul3A_74 : i32
      %add3A_76 = arith.addi %mul3A_4, %mul3A_75 : i32
      %dma_start3A_77 = tpu.memref_slice %arg5[%add3A_76] : memref<320000xi32, #tpu.memory_space<hbm>> -> memref<128xi32, #tpu.memory_space<hbm>>
      %dma_start3A_78 = tpu.memref_slice %arg5[%add3A_76] : memref<320000xi32, #tpu.memory_space<hbm>> -> memref<128xi32, #tpu.memory_space<hbm>>
      tpu.enqueue_dma source(%dma_start3A_78 : memref<128xi32, #tpu.memory_space<hbm>>) target(%arg8 : memref<128xi32, #tpu.memory_space<vmem>>) target_semaphore(%arg12 : memref<!tpu.dma_semaphore, #tpu.memory_space<semaphore_mem>>)
      %dma_wait3A_79 = tpu.memref_slice %arg5[%add3A_76] : memref<320000xi32, #tpu.memory_space<hbm>> -> memref<128xi32, #tpu.memory_space<hbm>>
      %dma_wait3A_80 = tpu.memref_slice %arg5[%add3A_76] : memref<320000xi32, #tpu.memory_space<hbm>> -> memref<128xi32, #tpu.memory_space<hbm>>
      tpu.wait_dma2 semaphore(%arg12 : memref<!tpu.dma_semaphore, #tpu.memory_space<semaphore_mem>>) src(%dma_wait3A_80 : memref<128xi32, #tpu.memory_space<hbm>>) dst(%arg8 : memref<128xi32, #tpu.memory_space<vmem>>)
      %dma_start3A_81 = arith.constant 0 : i32
      %dma_start3A_82 = arith.constant 0 : i32
      %dma_start3A_83 = tpu.memref_slice %arg6[%dma_start3A_81, %dma_start3A_82] : memref<640000x128xf32, #tpu.memory_space<hbm>> -> memref<640000x128xf32, #tpu.memory_space<hbm>>
      tpu.enqueue_indirect_dma source(%arg11 : memref<128x128xf32, #tpu.memory_space<vmem>>) target(%dma_start3A_83 : memref<640000x128xf32, #tpu.memory_space<hbm>>) offsets(%arg8 : memref<128xi32, #tpu.memory_space<vmem>>) semaphore(%arg14 : memref<!tpu.dma_semaphore, #tpu.memory_space<semaphore_mem>>)
      %dma_wait3A_84 = arith.constant 0 : i32
      %dma_wait3A_85 = arith.constant 0 : i32
      %dma_wait3A_86 = tpu.memref_slice %arg6[%dma_wait3A_84, %dma_wait3A_85] : memref<640000x128xf32, #tpu.memory_space<hbm>> -> memref<640000x128xf32, #tpu.memory_space<hbm>>
      tpu.wait_indirect_dma semaphore(%arg14 : memref<!tpu.dma_semaphore, #tpu.memory_space<semaphore_mem>>) src(%arg11 : memref<128x128xf32, #tpu.memory_space<vmem>>) dst(%dma_wait3A_86 : memref<640000x128xf32, #tpu.memory_space<hbm>>)
      %scan3A_87 = arith.constant 0 : i32
      scf.yield %scan3A_87 : i32
    }
    %scan3A_53 = arith.constant 78 : i32
    %add3A_54 = arith.constant 9984 : i32
    %add3A_55 = arith.addi %mul3A_4, %add3A_54 : i32
    %dma_start3A_56 = tpu.memref_slice %arg5[%add3A_55] : memref<320000xi32, #tpu.memory_space<hbm>> -> memref<16xi32, #tpu.memory_space<hbm>>
    %dma_start3A_57 = tpu.memref_slice %arg5[%add3A_55] : memref<320000xi32, #tpu.memory_space<hbm>> -> memref<16xi32, #tpu.memory_space<hbm>>
    tpu.enqueue_dma source(%dma_start3A_57 : memref<16xi32, #tpu.memory_space<hbm>>) target(%arg9 : memref<16xi32, #tpu.memory_space<vmem>>) target_semaphore(%arg12 : memref<!tpu.dma_semaphore, #tpu.memory_space<semaphore_mem>>)
    %dma_wait3A_58 = tpu.memref_slice %arg5[%add3A_55] : memref<320000xi32, #tpu.memory_space<hbm>> -> memref<16xi32, #tpu.memory_space<hbm>>
    %dma_wait3A_59 = tpu.memref_slice %arg5[%add3A_55] : memref<320000xi32, #tpu.memory_space<hbm>> -> memref<16xi32, #tpu.memory_space<hbm>>
    tpu.wait_dma2 semaphore(%arg12 : memref<!tpu.dma_semaphore, #tpu.memory_space<semaphore_mem>>) src(%dma_wait3A_59 : memref<16xi32, #tpu.memory_space<hbm>>) dst(%arg9 : memref<16xi32, #tpu.memory_space<vmem>>)
    %dma_start3A_60 = arith.constant 0 : i32
    %dma_start3A_61 = arith.constant 0 : i32
    %dma_start3A_62 = tpu.memref_slice %arg11[%dma_start3A_60, %dma_start3A_61] : memref<128x128xf32, #tpu.memory_space<vmem>> -> memref<16x128xf32, #tpu.memory_space<vmem>>
    %dma_start3A_63 = arith.constant 0 : i32
    %dma_start3A_64 = arith.constant 0 : i32
    %dma_start3A_65 = tpu.memref_slice %arg6[%dma_start3A_63, %dma_start3A_64] : memref<640000x128xf32, #tpu.memory_space<hbm>> -> memref<640000x128xf32, #tpu.memory_space<hbm>>
    tpu.enqueue_indirect_dma source(%dma_start3A_62 : memref<16x128xf32, #tpu.memory_space<vmem>>) target(%dma_start3A_65 : memref<640000x128xf32, #tpu.memory_space<hbm>>) offsets(%arg9 : memref<16xi32, #tpu.memory_space<vmem>>) semaphore(%arg14 : memref<!tpu.dma_semaphore, #tpu.memory_space<semaphore_mem>>)
    %dma_wait3A_66 = arith.constant 0 : i32
    %dma_wait3A_67 = arith.constant 0 : i32
    %dma_wait3A_68 = tpu.memref_slice %arg11[%dma_wait3A_66, %dma_wait3A_67] : memref<128x128xf32, #tpu.memory_space<vmem>> -> memref<16x128xf32, #tpu.memory_space<vmem>>
    %dma_wait3A_69 = arith.constant 0 : i32
    %dma_wait3A_70 = arith.constant 0 : i32
    %dma_wait3A_71 = tpu.memref_slice %arg6[%dma_wait3A_69, %dma_wait3A_70] : memref<640000x128xf32, #tpu.memory_space<hbm>> -> memref<640000x128xf32, #tpu.memory_space<hbm>>
    tpu.wait_indirect_dma semaphore(%arg14 : memref<!tpu.dma_semaphore, #tpu.memory_space<semaphore_mem>>) src(%dma_wait3A_68 : memref<16x128xf32, #tpu.memory_space<vmem>>) dst(%dma_wait3A_71 : memref<640000x128xf32, #tpu.memory_space<hbm>>)
    return
  }
}

</mosaic_0001>

<sc_bundles>
// kernel: run.3.cloned.1.call-start
scs
__scs_entry_jumppad:
0x0: {  	(pc) =	sbr.rel $0x88, $3  }
0x1: {  	(tag) =	ssettag $0x0;
	lr =	simm.s32 $0x1  }
0x2: {  	[smem:$0x3F9D] =	sst lr;
	_ =	strace $0xD0000000  }
0x3: {  	_ = 	snop  }
0x4: {  	_ = 	snop  }
0x5: {  	_ = 	snop  }
0x6: {  	_ = 	snop  }
0x7: {  	_ = 	snop  }
__scs_overlays_trampoline_lowered:
0x8: {  	[smem:$0x3FAC] =	sst s0  }
0x9: {  	[smem:$0x3FAD] =	sst s1  }
0xa: {  	[smem:$0x3FAE] =	sst s2  }
0xb: {  	[smem:$0x3FAF] =	sst s3  }
0xc: {  	[smem:$0x3FB0] =	sst s4  }
0xd: {  	[smem:$0x3FB1] =	sst s5  }
0xe: {  	[smem:$0x3FB2] =	sst s6  }
0xf: {  	[smem:$0x3FB3] =	sst s7  }
0x10: {  	[smem:$0x3FB4] =	sst s8  }
0x11: {  	[smem:$0x3FB5] =	sst s9;
	s0 =	simm.s32 @!p0 $0x0  }
0x12: {  	s1 =	sld [smem:$0x3F9B];
	s0 =	simm.s32 @p0 $0x1  }
0x13: {  	[smem:$0x3FB6] =	sst s0;
	s0 =	simm.s32 @!p1 $0x0  }
0x14: {  	s2 =	sld [smem:$0x3F9A];
	s0 =	simm.s32 @p1 $0x1  }
0x15: {  	[smem:$0x3FB7] =	sst s0;
	s0 =	simm.s32 @!p2 $0x0  }
0x16: {  	s3 =	sld [smem:$0x3FDB];
	s0 =	simm.s32 @p2 $0x1  }
0x17: {  	s4 =	simm.s32 $0x1BF5;
	[smem:$0x3FB9] =	sst s0  }
0x18: {  	s0 =	sld [smem:$0x3F9C];
	_ =	swait.ge [sflag:s4], $0x0  }
0x19: {  	s7 =	sld [smem:$0x3F9D]  }
0x1a: {  	s8 =	sadd.s32 $0xFFFFE003, lr  }
0x1b: {  	s9 =	sadd.s32 $0xFFFFFEF7, lr;
	s5 =	simm.s32 $0xFFFFFFFF;
	p2 =	slt.u32 s8, $0xFFFFF086  }
0x1c: {  	p1 =	slt.u32 s9, $0xF7A;
	s5 =	simm.s32 @!p2 $0x0  }
0x1d: {  	s5 =	simm.s32 @p1 $0x1;
	p0 =	seq.s32 s7, s2  }
0x1e: {  	s7 =	smul.u32 @!p0 $0xF7A, s2;
	p2 =	seq.s32 @!p0 s5, $0x0  }
0x1f: {  	s9 =	smul.u32 $0xF7A, s1;
	s8 =	simm.s32 @!p0 $0x1BF5;
	p2 =	por !p2, p0  }
0x20: {  	[sflag:s8] =	ssyncset.s32 @!p0 $0xFFFFF086;
	s6 =	sadd.s32 @!p0 s3, s7;
	s7 =	simm.s32 @!p0 $0x108  }
0x21: {  	s3 =	sadd.s32 s3, s9;
	s6 =	sadd.s32 @!p0 $0x88, s6;
	s7 =	simm.s32 @p2 $0x1082  }
0x22: {  	[simem:s7], [sflag:s8] =	dma.local @!p0 [hbm:s6], $0xF7A  }
0x23: {  	s9 =	sor.u32 $0xD0000000, s2;
	s6 =	simm.s32 $0x108;
	_ =	swait.ge @!p0 [sflag:s8], $0x0  }
0x24: {  	s3 =	sadd.s32 $0x88, s3;
	s6 =	simm.s32 @!p1 $0x1082;
	[sflag:s4] =	ssyncset.s32 $0xFFFFF086  }
0x25: {  	[simem:s6], [sflag:s4] =	dma.local [hbm:s3], $0xF7A  }
0x26: {  	[smem:$0x3F9D] =	sst s1;
	(tag) =	ssettag s2;
	_ =	strace s9  }
0x27: {  	s1 =	sld [smem:$0x3FAD]  }
0x28: {  	s2 =	sld [smem:$0x3FAE]  }
0x29: {  	s4 =	sld [smem:$0x3FB0]  }
0x2a: {  	p0 =	seq.s32 s5, $0x0;
	s5 =	sld [smem:$0x3FB1]  }
0x2b: {  	s6 =	sld [smem:$0x3FB2]  }
0x2c: {  	s7 =	sld [smem:$0x3FB3]  }
0x2d: {  	s3 =	simm.s32 $0x108;
	s8 =	sld [smem:$0x3FB4]  }
0x2e: {  	s3 =	simm.s32 @!p0 $0x1082;
	s9 =	sld [smem:$0x3FB5]  }
0x2f: {  	lr =	sadd.s32 s0, s3;
	s0 =	sld [smem:$0x3FAC]  }
0x30: {  	s3 =	sld [smem:$0x3FAF]  }
0x31: {  	[smem:$0x3FB8] =	sst s10  }
0x32: {  	s10 =	sld [smem:$0x3FB6];
	_ =	sdelay $0x3  }
0x33: {  	p0 =	seq.s32 s10, $0x1;
	s10 =	sld [smem:$0x3FB8];
	_ =	sdelay $0x3  }
0x34: {  	[smem:$0x3FB8] =	sst s10  }
0x35: {  	s10 =	sld [smem:$0x3FB7];
	_ =	sdelay $0x3  }
0x36: {  	p1 =	seq.s32 s10, $0x1;
	s10 =	sld [smem:$0x3FB8];
	_ =	sdelay $0x3  }
0x37: {  	[smem:$0x3FB8] =	sst s10  }
0x38: {  	s10 =	sld [smem:$0x3FB9]  }
0x39: {  	_ = 	snop;
	(pc) =	sbr.ind lr, $3  }
0x3a: {  	_ = 	snop  }
0x3b: {  	_ = 	snop  }
0x3c: {  	p2 =	seq.s32 s10, $0x1;
	s10 =	sld [smem:$0x3FB8]  }
0x3d: {  	_ =	shalt  }
0x3e: {  	_ =	shalt  }
0x3f: {  	_ =	shalt  }
0x40: {  	_ =	shalt  }
0x41: {  	_ =	shalt  }
0x42: {  	_ =	shalt  }
0x43: {  	_ =	shalt  }
0x44: {  	_ =	shalt  }
0x45: {  	_ =	shalt  }
0x46: {  	_ =	shalt  }
0x47: {  	_ =	shalt  }
0x48: {  	_ =	shalt  }
0x49: {  	_ =	shalt  }
0x4a: {  	_ =	shalt  }
0x4b: {  	_ =	shalt  }
0x4c: {  	_ =	shalt  }
0x4d: {  	_ =	shalt  }
0x4e: {  	_ =	shalt  }
0x4f: {  	_ =	shalt  }
0x50: {  	_ =	shalt  }
0x51: {  	_ =	shalt  }
0x52: {  	_ =	shalt  }
0x53: {  	_ =	shalt  }
0x54: {  	_ =	shalt  }
0x55: {  	_ =	shalt  }
0x56: {  	_ =	shalt  }
0x57: {  	_ =	shalt  }
0x58: {  	_ =	shalt  }
0x59: {  	_ =	shalt  }
0x5a: {  	_ =	shalt  }
0x5b: {  	_ =	shalt  }
0x5c: {  	_ =	shalt  }
0x5d: {  	_ =	shalt  }
0x5e: {  	_ =	shalt  }
0x5f: {  	_ =	shalt  }
0x60: {  	_ =	shalt  }
0x61: {  	_ =	shalt  }
0x62: {  	_ =	shalt  }
0x63: {  	_ =	shalt  }
0x64: {  	_ =	shalt  }
0x65: {  	_ =	shalt  }
0x66: {  	_ =	shalt  }
0x67: {  	_ =	shalt  }
0x68: {  	_ =	shalt  }
0x69: {  	_ =	shalt  }
0x6a: {  	_ =	shalt  }
0x6b: {  	_ =	shalt  }
0x6c: {  	_ =	shalt  }
0x6d: {  	_ =	shalt  }
0x6e: {  	_ =	shalt  }
0x6f: {  	_ =	shalt  }
0x70: {  	_ =	shalt  }
0x71: {  	_ =	shalt  }
0x72: {  	_ =	shalt  }
0x73: {  	_ =	shalt  }
0x74: {  	_ =	shalt  }
0x75: {  	_ =	shalt  }
0x76: {  	_ =	shalt  }
0x77: {  	_ =	shalt  }
0x78: {  	_ =	shalt  }
0x79: {  	_ =	shalt  }
0x7a: {  	_ =	shalt  }
0x7b: {  	_ =	shalt  }
0x7c: {  	_ =	shalt  }
0x7d: {  	_ =	shalt  }
0x7e: {  	_ =	shalt  }
0x7f: {  	_ =	shalt  }
0x80: {  	_ =	shalt  }
0x81: {  	_ =	shalt  }
0x82: {  	_ =	shalt  }
0x83: {  	_ =	shalt  }
0x84: {  	_ =	shalt  }
0x85: {  	_ =	shalt  }
0x86: {  	_ =	shalt  }
0x87: {  	_ =	shalt  }
.Lfunc_end0:
.L_simem_size_0:
called_computation_lowered:
.L_overlay_start_0:
0x88: {  	s2 =	sld [smem:$0x3FD9]  }
0x89: {  	s3 =	sld [smem:$0x3FFE];
	_ =	sdelay $0x1  }
0x8a: {  	s1 =	srdreg.scid  }
0x8b: {  	s0 =	sand.u32 $0x1, s1  }
0x8c: {  	s18 =	sshll.u32 s0, $0xA;
	s2 =	sadd.s32 s3, s2  }
0x8d: {  	s2 =	sadd.s32 s2, s18  }
0x8e: {  	[smem:$0x3FC4] =	sst s2  }
0x8f: {  	_ = 	snop  }
0x90: {  	s2 =	sld [smem:$0x3FC9]  }
0x91: {  	s19 =	sld [smem:$0x3FC8]  }
0x92: {  	s4 =	sld [smem:$0x3FC7]  }
0x93: {  	s5 =	sld [smem:$0x3FC6]  }
0x94: {  	s6 =	sld [smem:$0x3FD0];
	(tm) =	ssettm $0x1  }
0x95: {  	s7 =	sld [smem:$0x3FFB];
	_ =	sdelay $0x3  }
0x96: {  	_ =	strace s7  }
0x97: {  	s7 =	sld [smem:$0x3FFC];
	_ =	sdelay $0x3  }
0x98: {  	_ =	strace s7  }
0x99: {  	s7 =	sld [smem:$0x3FFD];
	_ =	sdelay $0x3  }
0x9a: {  	_ =	strace s7  }
0x9b: {  	_ =	strace $0x8FFFFFFF  }
0x9c: {  	s20 =	sld [smem:$0x3FDB];
	_ =	sdelay $0x1  }
0x9d: {  	s8 =	simm.s32 $_scs_section_size  }
0x9e: {  	s9 =	simm.s32 $_size__tile_overlayer_lowered;
	s10 =	simm.s32 $_tile_overlayer_lowered  }
0x9f: {  	s23 =	simm.s32 $0x1BFF;
	s22 =	sshll.u32 s10, $0x1;
	s7 =	sadd.s32 s8, s20  }
0xa0: {  	s11 =	simm.s32 $0x0;
	s21 =	sshll.u32 s9, $0x1;
	s9 =	sadd.s32 s22, s7  }
0xa1: {  	[timem:s11], [sflag:s23] =	dma.local [hbm:s9], s21  }
0xa2: {  	_ =	swait.ge [sflag:s23], s21  }
0xa3: {  	s8 =	ssub.s32 $0x0, s21;
	[sflag:s23] =	ssyncset.done $0x0  }
0xa4: {  	[sflag:s23] =	ssyncadd.s32 s8;
	_ =	sdelay $0x1  }
0xa5: {  	s24 =	simm.s32 $0x1B8B  }
0xa6: {  	_ =	swait.ge [sflag:s24], $0x1  }
0xa7: {  	[sflag:s24] =	ssyncset.done $0x0  }
0xa8: {  	s25 =	simm.s32 $0x1B8E;
	[sflag:s24] =	ssyncadd.s32 $0xFFFFFFFF  }
0xa9: {  	s26 =	simm.s32 $execute0_lowered;
	[smem:$0x3FD2] =	sst s25  }
0xaa: {  	s8 =	sshll.u32 s26, $0x1;
	_ =	strace $0x80000046;
	[dreg:$0x1] =	wrdreg $0xFFFFFFFF  }
0xab: {  	s28 =	simm.s32 $_size_execute0_lowered;
	s7 =	sadd.s32 s7, s8;
	[dreg:$0x0] =	wrdreg $0x0  }
0xac: {  	s8 =	sshll.u32 s28, $0x1;
	[dreg:$0x2] =	wrdreg s7  }
0xad: {  	[dreg:$0x3] =	wrdreg s8  }
0xae: {  	[dreg:$0x4] =	wrdreg $0xC0  }
0xaf: {  	_ =	task [dreg:s11], $0x5FFFF  }
0xb0: {  	[dreg:$0x1] =	wrdreg $0xFFFFFFFF  }
0xb1: {  	[dreg:$0x0] =	wrdreg $0x60  }
0xb2: {  	[dreg:$0x2] =	wrdreg s2  }
0xb3: {  	[dreg:$0x3] =	wrdreg s19  }
0xb4: {  	[dreg:$0x4] =	wrdreg s4  }
0xb5: {  	[dreg:$0x5] =	wrdreg s5  }
0xb6: {  	[dreg:$0x6] =	wrdreg s6  }
0xb7: {  	[dreg:$0x7] =	wrdreg $0x9  }
0xb8: {  	_ =	task.clear_ibuf [dreg:s11], $0x8FFFF;
	_ =	strace $0x90000046  }
0xb9: {  	s29 =	simm.s32 $0x9;
	_ =	strace $0x80000048  }
0xba: {  	_ =	swait.ge [sflag:s29], $0x1  }
0xbb: {  	[sflag:s29] =	ssyncadd.s32 $0xFFFFFFFF  }
0xbc: {  	_ =	strace $0x90000048  }
0xbd: {  	_ =	sfence  }
0xbe: {  	s30 =	sld [smem:$0x0];
	_ =	sdelay $0x2  }
0xbf: {  	s31 =	sshll.u32 s1, $0xD;
	s1 =	sshrl.u32 s1, $0x2  }
0xc0: {  	s3 =	sand.u32 $0x4000, s31;
	s1 =	sadd.s32 s1, s30  }
0xc1: {  	s0 =	sor.u32 s3, s0;
	s1 =	sshll.u32 s1, $0x11  }
0xc2: {  	s0 =	sor.u32 s1, s0  }
0xc3: {  	s0 =	sadd.s32 $0x8F2B, s0  }
0xc4: {  	[sflag:s0] =	ssyncadd.remote.s32 $0x1  }
0xc5: {  	_ =	sfence.sel $0xFFFF  }
0xc6: {  	[dreg:$0x0] =	wrdreg $0xFFFFFFFF;
	(pc) =	sbr.abs _section_cstart, $3  }
0xc7: {  	[dreg:$0x1] =	wrdreg $0xFFFFFFFF  }
0xc8: {  	_ =	task.clear_ibuf [dreg:s11], $0x2FFFF;
	_ =	strace $0x9FFFFFFF  }
0xc9: {  	(tm) =	ssettm $0x7FFFFFFF  }
tec
execute0_lowered:
.L_overlay_start_1:
0x0: {  	(tag) =	ssettag $0x1  }
0x1: {  	s8 =	rddreg [dreg:$0x0]  }
0x2: {  	s1 =	rddreg [dreg:$0x1]  }
0x3: {  	s10 =	rddreg [dreg:$0x2]  }
0x4: {  	s11 =	rddreg [dreg:$0x3]  }
0x5: {  	s2 =	srdreg.scid;
	s0 =	stileid.u32  }
0x6: {  	s3 =	rddreg [dreg:$0x4];
	s4 =	simm.s32 $0x0;
	s17 =	simm.s32 $0x80  }
0x7: {  	s18 =	simm.s32 $0x3;
	s19 =	simm.s32 $0x100;
	s20 =	simm.s32 $0x10  }
0x8: {  	s21 =	simm.s32 $0x0;
	s7 =	sand.u32 $0x1, s2;
	s12 =	smul.u32 $0x4E200, s0  }
0x9: {  	s5 =	sshll.u32 s0, $0x1;
	s2 =	rddreg [dreg:$0x5];
	s13 =	smul.u32 $0x4E20, s0  }
0xa: {  	[smem:$0x7FF] =	sst s4;
	s5 =	sor.u32 s7, s5;
	s15 =	smul.u32 $0x2710, s7  }
0xb: {  	s6 =	ssub.s32 $0x2, s7;
	_ =	strace $0x80000047;
	s5 =	smul.u32 $0x2710, s5  }
0xc: {  	s16 =	smul.u32 $0x27100, s7;
	s9 =	sshrl.u32 s6, $0x1;
	s12 =	sadd.s32 s12, s8  }
0xd: {  	s9 =	ssub.s32 s6, s9;
	s13 =	sadd.s32 s15, s13;
	s5 =	sadd.s32 $0x2700, s5  }
0xe: {  	s15 =	simm.s32 $0x1;
	s31 =	sshrl.u32 s13, $0x3;
	s14 =	sshrl.u32 s5, $0x3  }
0xf: {  	s13 =	simm.s32 $0x4;
	s30 =	sshll.u32 s5, $0x4;
	s5 =	sadd.s32 s10, s14  }
0x10: {  	s6 =	sadd.s32 s8, s30;
	s7 =	sadd.s32 s11, s14;
	s8 =	smax.u32 s9, $0x1  }
0x11: {  	s9 =	sadd.s32 s16, s12;
	s10 =	sadd.s32 s31, s10;
	s11 =	sadd.s32 s31, s11  }
0x12: {  	s12 =	simm.s32 $0x4180;
	s14 =	simm.s32 $0x180;
	s16 =	simm.s32 $0x2  }
.LBB2_1:
0x13: {  	[tilespmem:s12], [sflag:$0x4] =	stream.linear.gather [hbm4b:s1+s4], $0x4000, $0x38;
	[tilespmem:$0x8180] =	vst v63  }
0x14: {  	_ =	swait.ge [sflag:s13], $0x4000  }
0x15: {  	[sflag:s13] =	ssyncset.done $0x0  }
0x16: {  	s22 =	sadd.s32 $0x0, s10;
	[sflag:s13] =	ssyncadd.s32 $0xFFFFC000  }
0x17: {  	[tilespmem:s4], [sflag:$0x1] =	stream.linear.gather [hbm4b:s22+s4], $0x80, $0x38;
	[tilespmem:$0x8180] =	vst v63  }
0x18: {  	_ = 	snop  }
0x19: {  	[tilespmem:s14], [sflag:$0x2] =	stream.linear.gather [hbm4b:s9+s4], $0x4000, $0x38;
	[tilespmem:$0x8180] =	vst v63  }
0x1a: {  	_ =	swait.ge [sflag:s15], $0x80  }
0x1b: {  	[sflag:s15] =	ssyncset.done $0x0  }
0x1c: {  	[sflag:s15] =	ssyncadd.s32 $0xFFFFFF80  }
0x1d: {  	_ =	swait.ge [sflag:s16], $0x4000  }
0x1e: {  	[sflag:s16] =	ssyncset.done $0x0  }
0x1f: {  	[sflag:s16] =	ssyncadd.s32 $0xFFFFC000  }
0x20: {  	[hbm4b:s3+s17] =	stream.indirect.scatter [tilespmem:s14], [sflag:$0x3], $0x80, s4, s17, $0xb8;
	[tilespmem:$0x8180] =	vst v63  }
0x21: {  	s23 =	simm.s32 $0x10;
	_ =	swait.ge [sflag:s18], $0x4000  }
0x22: {  	s24 =	simm.s32 $0x20;
	s22 =	sadd.s32 $0x800, s9;
	[sflag:s18] =	ssyncset.done $0x0  }
.LBB2_2:
0x23: {  	s25 =	sadd.s32 s23, s10  }
0x24: {  	[sflag:s18] =	ssyncadd.s32 $0xFFFFC000;
	s23 =	smov.u32 s24;
	s26 =	sadd.s32 $0x10, s24  }
0x25: {  	[tilespmem:s4], [sflag:$0x1] =	stream.linear.gather [hbm4b:s25+s4], $0x80, $0x38;
	[tilespmem:$0x8180] =	vst v63  }
0x26: {  	p0 =	sne.s32 s24, $0x4D0  }
0x27: {  	[tilespmem:s14], [sflag:$0x2] =	stream.linear.gather [hbm4b:s22+s4], $0x4000, $0x38;
	[tilespmem:$0x8180] =	vst v63  }
0x28: {  	_ =	swait.ge [sflag:s15], $0x80  }
0x29: {  	[sflag:s15] =	ssyncset.done $0x0  }
0x2a: {  	[sflag:s15] =	ssyncadd.s32 $0xFFFFFF80  }
0x2b: {  	_ =	swait.ge [sflag:s16], $0x4000  }
.Ltmp0:
0x2c: {  	[sflag:s16] =	ssyncset.done $0x0;
	(pc) =	sbr.rel @p0 .LBB2_2-.Ltmp0, $4  }
0x2d: {  	[sflag:s16] =	ssyncadd.s32 $0xFFFFC000  }
0x2e: {  	[hbm4b:s3+s17] =	stream.indirect.scatter [tilespmem:s14], [sflag:$0x3], $0x80, s4, s17, $0xb8;
	[tilespmem:$0x8180] =	vst v63  }
0x2f: {  	_ =	swait.ge [sflag:s18], $0x4000  }
0x30: {  	s24 =	smov.u32 s26;
	s22 =	sadd.s32 $0x800, s22;
	[sflag:s18] =	ssyncset.done $0x0  }
0x31: {  	s23 =	sadd.s32 s23, s10;
	[sflag:s18] =	ssyncadd.s32 $0xFFFFC000  }
0x32: {  	[tilespmem:s4], [sflag:$0x1] =	stream.linear.gather [hbm4b:s23+s4], $0x80, $0x38;
	[tilespmem:$0x8180] =	vst v63  }
0x33: {  	_ = 	snop  }
0x34: {  	[tilespmem:s14], [sflag:$0x2] =	stream.linear.gather [hbm4b:s22+s4], $0x4000, $0x38;
	[tilespmem:$0x8180] =	vst v63  }
0x35: {  	_ =	swait.ge [sflag:s15], $0x80  }
0x36: {  	[sflag:s15] =	ssyncset.done $0x0  }
0x37: {  	[sflag:s15] =	ssyncadd.s32 $0xFFFFFF80  }
0x38: {  	_ =	swait.ge [sflag:s16], $0x4000  }
0x39: {  	[sflag:s16] =	ssyncset.done $0x0  }
0x3a: {  	[sflag:s16] =	ssyncadd.s32 $0xFFFFC000  }
0x3b: {  	[hbm4b:s3+s17] =	stream.indirect.scatter [tilespmem:s14], [sflag:$0x3], $0x80, s4, s17, $0xb8;
	[tilespmem:$0x8180] =	vst v63  }
0x3c: {  	_ =	swait.ge [sflag:s18], $0x4000  }
0x3d: {  	[sflag:s18] =	ssyncset.done $0x0  }
0x3e: {  	s30 =	simm.s32 $0x0;
	[sflag:s18] =	ssyncadd.s32 $0xFFFFC000  }
0x3f: {  	[tilespmem:s19], [sflag:$0x1] =	stream.linear.gather [hbm4b:s5+s30], $0x10, $0x38;
	[tilespmem:$0x8180] =	vst v63  }
0x40: {  	_ = 	snop  }
0x41: {  	[tilespmem:s14], [sflag:$0x2] =	stream.linear.gather [hbm4b:s6+s30], $0x800, $0x38;
	[tilespmem:$0x8180] =	vst v63  }
0x42: {  	_ =	swait.ge [sflag:s15], $0x10  }
0x43: {  	[sflag:s15] =	ssyncset.done $0x0  }
0x44: {  	[sflag:s15] =	ssyncadd.s32 $0xFFFFFFF0  }
0x45: {  	_ =	swait.ge [sflag:s16], $0x800  }
0x46: {  	[sflag:s16] =	ssyncset.done $0x0  }
0x47: {  	[sflag:s16] =	ssyncadd.s32 $0xFFFFF800  }
0x48: {  	[hbm4b:s3+s20] =	stream.indirect.scatter [tilespmem:s14], [sflag:$0x3], $0x80, s19, s20, $0xb8;
	[tilespmem:$0x8180] =	vst v63  }
0x49: {  	_ =	swait.ge [sflag:s18], $0x800  }
0x4a: {  	[sflag:s18] =	ssyncset.done $0x0  }
0x4b: {  	s31 =	sadd.s32 $0x0, s11;
	[sflag:s18] =	ssyncadd.s32 $0xFFFFF800  }
0x4c: {  	[tilespmem:s17], [sflag:$0x1] =	stream.linear.gather [hbm4b:s31+s4], $0x80, $0x38;
	[tilespmem:$0x8180] =	vst v63  }
0x4d: {  	_ =	swait.ge [sflag:s15], $0x80  }
0x4e: {  	[sflag:s15] =	ssyncset.done $0x0  }
0x4f: {  	[sflag:s15] =	ssyncadd.s32 $0xFFFFFF80  }
0x50: {  	[hbm4b:s3+s17] =	stream.indirect.scatter [tilespmem:s12], [sflag:$0x3], $0x80, s17, s17, $0xb8;
	[tilespmem:$0x8180] =	vst v63  }
0x51: {  	_ =	swait.ge [sflag:s18], $0x4000  }
0x52: {  	s23 =	simm.s32 $0x20;
	s22 =	simm.s32 $0x10;
	[sflag:s18] =	ssyncset.done $0x0  }
.LBB2_4:
0x53: {  	s24 =	sadd.s32 s22, s11  }
0x54: {  	[sflag:s18] =	ssyncadd.s32 $0xFFFFC000;
	s22 =	smov.u32 s23;
	s25 =	sadd.s32 $0x10, s23  }
0x55: {  	[tilespmem:s17], [sflag:$0x1] =	stream.linear.gather [hbm4b:s24+s4], $0x80, $0x38;
	[tilespmem:$0x8180] =	vst v63  }
0x56: {  	p0 =	sne.s32 s23, $0x4D0;
	_ =	swait.ge [sflag:s15], $0x80  }
.Ltmp1:
0x57: {  	[sflag:s15] =	ssyncset.done $0x0;
	(pc) =	sbr.rel @p0 .LBB2_4-.Ltmp1, $4  }
0x58: {  	[sflag:s15] =	ssyncadd.s32 $0xFFFFFF80  }
0x59: {  	[hbm4b:s3+s17] =	stream.indirect.scatter [tilespmem:s12], [sflag:$0x3], $0x80, s17, s17, $0xb8;
	[tilespmem:$0x8180] =	vst v63  }
0x5a: {  	_ =	swait.ge [sflag:s18], $0x4000  }
0x5b: {  	s23 =	smov.u32 s25;
	[sflag:s18] =	ssyncset.done $0x0  }
0x5c: {  	s22 =	sadd.s32 s22, s11;
	[sflag:s18] =	ssyncadd.s32 $0xFFFFC000  }
0x5d: {  	[tilespmem:s17], [sflag:$0x1] =	stream.linear.gather [hbm4b:s22+s4], $0x80, $0x38;
	[tilespmem:$0x8180] =	vst v63  }
0x5e: {  	_ =	swait.ge [sflag:s15], $0x80  }
0x5f: {  	[sflag:s15] =	ssyncset.done $0x0  }
0x60: {  	[sflag:s15] =	ssyncadd.s32 $0xFFFFFF80  }
0x61: {  	[hbm4b:s3+s17] =	stream.indirect.scatter [tilespmem:s12], [sflag:$0x3], $0x80, s17, s17, $0xb8;
	[tilespmem:$0x8180] =	vst v63  }
0x62: {  	_ =	swait.ge [sflag:s18], $0x4000  }
0x63: {  	[sflag:s18] =	ssyncset.done $0x0  }
0x64: {  	[sflag:s18] =	ssyncadd.s32 $0xFFFFC000  }
0x65: {  	[tilespmem:s19], [sflag:$0x1] =	stream.linear.gather [hbm4b:s7+s4], $0x10, $0x38;
	[tilespmem:$0x8180] =	vst v63  }
0x66: {  	s21 =	sadd.s32 $0x1, s21;
	_ =	swait.ge [sflag:s15], $0x10  }
0x67: {  	p0 =	sne.s32 s21, s8;
	[sflag:s15] =	ssyncset.done $0x0  }
.Ltmp2:
0x68: {  	[sflag:s15] =	ssyncadd.s32 $0xFFFFFFF0;
	(pc) =	sbr.rel @p0 .LBB2_1-.Ltmp2, $4  }
0x69: {  	[hbm4b:s3+s20] =	stream.indirect.scatter [tilespmem:s12], [sflag:$0x3], $0x80, s19, s20, $0xb8;
	[tilespmem:$0x8180] =	vst v63  }
0x6a: {  	_ =	swait.ge [sflag:s18], $0x800  }
0x6b: {  	[sflag:s18] =	ssyncset.done $0x0  }
0x6c: {  	[sflag:s18] =	ssyncadd.s32 $0xFFFFF800  }
0x6d: {  	_ =	sfence.sel $0x180000  }
0x6e: {  	[bflag:$0x0] =	sbarrier.arrive $0xFFFF  }
0x6f: {  	p0 =	sne.s32 s0, $0x0;
	_ =	strace $0x90000047  }
0x70: {  	s0 =	sadd.s32 @!p0 $0x100000, s2;
	[bflag:$0x2] =	sbarrier.arrive $0xFFFF  }
0x71: {  	[sflag:s0] =	ssyncadd.tile.s32 @!p0 $0x1;
	_ =	shalt  }
.Lfunc_end2:
_tile_overlayer_lowered:
.L_overlay_start_2:
0x72: {  	(tag) =	ssettag $0x2  }
0x73: {  	s0 =	rddreg [dreg:$0x0];
	s2 =	stileid.u32  }
0x74: {  	s1 =	rddreg [dreg:$0x1];
	p0 =	sne.s32 s2, $0x0  }
0x75: {  	s3 =	rddreg [dreg:$0x2];
	[bflag:$0x3] =	sbarrier.arrive $0xFFFF;
	s2 =	simm.s32 @!p0 $0x1C04  }
0x76: {  	[timem:s3], [sflag:s2] =	dma.local @!p0 [hbm:s0], s1  }
0x77: {  	s0 =	simm.s32 @!p0 $0x4  }
0x78: {  	_ =	swait.ge @!p0 [sflag:s0], s1  }
0x79: {  	s1 =	ssub.s32 @!p0 $0x0, s1;
	[sflag:s0] =	ssyncset.done @!p0 $0x0  }
0x7a: {  	[sflag:s0] =	ssyncadd.s32 @!p0 s1  }
0x7b: {  	[bflag:$0x3] =	sbarrier.arrive $0xFFFF  }
0x7c: {  	_ =	shalt  }

</sc_bundles>
